<compile_context>
chip_gen: v7x
topology: tpu7x:2x2x1
jax: 0.10.2.dev20260603
libtpu: 0.0.44.dev20260713+nightly
codegen_flags: <defaults>
</compile_context>

<pallas_src>
import functools
import jax
import jax.numpy as jnp
from jax import lax
from jax.experimental import pallas as pl
from jax.experimental.pallas import tpu as pltpu
from jax.experimental.pallas import tpu_sc as plsc

N = 10000
E = 320000
D = 128
H = 64
NC = 2
NS = 16
L = 16
NW = NC * NS

CH = 128
EPT = E // NS
NCHUNK = -(-EPT // CH)
EPT_PAD = NCHUNK * CH
EPW = E // NW
PAD_ROWS = 8
RPT = N // NS

_sc_mesh = plsc.VectorSubcoreMesh(core_axis_name="c", subcore_axis_name="s")
_sc_params = pltpu.CompilerParams(needs_layout_passes=False,
                                  use_tc_tiling_on_sc=False)


@functools.partial(
    pl.kernel,
    out_type=jax.ShapeDtypeStruct((NW, N), jnp.float32),
    mesh=_sc_mesh,
    scratch_types=[
        pltpu.VMEM((EPW,), jnp.int32),
        pltpu.VMEM((N,), jnp.float32),
    ],
    compiler_params=_sc_params,
)
def _deg_kernel(dst_hbm, out_hbm, idx_v, hist_v):
    c = lax.axis_index("c")
    s = lax.axis_index("s")
    w = c * NS + s
    pltpu.sync_copy(dst_hbm.at[w], idx_v)

    zeros = jnp.zeros((L,), jnp.float32)
    ones = jnp.ones((L,), jnp.float32)

    def zero_body(i, _):
        hist_v[pl.ds(i * L, L)] = zeros
        return 0

    lax.fori_loop(0, N // L, zero_body, 0)

    def add_body(i, _):
        idx = idx_v[pl.ds(i * L, L)]
        plsc.addupdate_scatter(hist_v, [idx], ones)
        return 0

    lax.fori_loop(0, EPW // L, add_body, 0)
    pltpu.sync_copy(hist_v, out_hbm.at[w])


def _mm_body(x_ref, w_ref, degp_ref, g2_ref, dinv_ref):
    deg = jnp.sum(degp_ref[...], axis=1) + 1.0
    dinv = lax.rsqrt(deg)
    h = jnp.dot(x_ref[...], w_ref[...], preferred_element_type=jnp.float32)
    g = h * dinv[:, None]
    g2_ref[0] = g[:, :H]
    g2_ref[1] = g[:, H:]
    dinv_ref[...] = dinv[:, None]


_R = 1000


def _matmul_scale(x, W, deg_partials):
    return pl.pallas_call(
        _mm_body,
        grid=(N // _R,),
        in_specs=[
            pl.BlockSpec((_R, D), lambda i: (i, 0)),
            pl.BlockSpec((D, D), lambda i: (0, 0)),
            pl.BlockSpec((_R, NW), lambda i: (i, 0)),
        ],
        out_specs=[
            pl.BlockSpec((NC, _R, H), lambda i: (0, i, 0)),
            pl.BlockSpec((_R, 1), lambda i: (i, 0)),
        ],
        out_shape=[
            jax.ShapeDtypeStruct((NC, N, H), jnp.float32),
            jax.ShapeDtypeStruct((N, 1), jnp.float32),
        ],
    )(x, W, deg_partials)


@functools.partial(
    pl.kernel,
    out_type=jax.ShapeDtypeStruct((NC, N, H), jnp.float32),
    mesh=_sc_mesh,
    scratch_types=[
        pltpu.VMEM((NCHUNK, CH), jnp.int32),
        pltpu.VMEM((NCHUNK, CH), jnp.int32),
        pltpu.VMEM((CH, H), jnp.float32),
        pltpu.VMEM_SHARED((N + PAD_ROWS, H), jnp.float32),
    ],
    compiler_params=_sc_params,
)
def _edge_kernel(g2_hbm, src_hbm, dst_hbm, out_hbm, src_v, dst_v, rows_v,
                 acc_sh):
    c = lax.axis_index("c")
    s = lax.axis_index("s")
    g_view = g2_hbm.at[c]

    pltpu.sync_copy(src_hbm.at[s], src_v)
    pltpu.sync_copy(dst_hbm.at[s], dst_v)
    pltpu.sync_copy(g_view.at[pl.ds(s * RPT, RPT)],
                    acc_sh.at[pl.ds(s * RPT, RPT)])
    plsc.subcore_barrier()

    def chunk_body(j, _):
        pltpu.sync_copy(g_view.at[src_v.at[j]], rows_v)
        pltpu.sync_copy(rows_v, acc_sh.at[dst_v.at[j]], add=True)
        return 0

    lax.fori_loop(0, NCHUNK, chunk_body, 0)
    plsc.subcore_barrier()
    pltpu.sync_copy(acc_sh.at[pl.ds(s * RPT, RPT)],
                    out_hbm.at[c].at[pl.ds(s * RPT, RPT)])


def _fin_body(acc_ref, dinv_ref, b_ref, out_ref):
    h = jnp.concatenate([acc_ref[0], acc_ref[1]], axis=-1)
    out_ref[...] = jnp.maximum(h * dinv_ref[...] + b_ref[...], 0.0)


def _finalize(acc2, dinv, b):
    return pl.pallas_call(
        _fin_body,
        grid=(N // _R,),
        in_specs=[
            pl.BlockSpec((NC, _R, H), lambda i: (0, i, 0)),
            pl.BlockSpec((_R, 1), lambda i: (i, 0)),
            pl.BlockSpec((1, D), lambda i: (0, 0)),
        ],
        out_specs=pl.BlockSpec((_R, D), lambda i: (i, 0)),
        out_shape=jax.ShapeDtypeStruct((N, D), jnp.float32),
    )(acc2, dinv, b.reshape(1, D))


def kernel(x, edge_index, W, b):
    src = edge_index[0]
    dst = edge_index[1]

    dst_a = dst.reshape(NW, EPW)
    deg_partials = _deg_kernel(dst_a)

    g2, dinv = _matmul_scale(x, W, deg_partials.T)

    pad = EPT_PAD - EPT
    src_c = jnp.pad(src.reshape(NS, EPT), ((0, 0), (0, pad)),
                    constant_values=0).reshape(NS, NCHUNK, CH)
    dst_c = jnp.pad(dst.reshape(NS, EPT), ((0, 0), (0, pad)),
                    constant_values=N).reshape(NS, NCHUNK, CH)

    acc2 = _edge_kernel(g2, src_c, dst_c)
    return _finalize(acc2, dinv, b)

# --- scband reference (transcript-rebuilt; emitter-appended) ---
"""Pipeline reference for scband-gcnlayer-31172872634923 (READ-ONLY COPY).

The authoritative reference and input builder live on the scoring server;
editing this copy changes nothing except your own understanding.
"""

import jax, jax.numpy as jnp
import numpy as np

N = 10000
E = 320000
D_IN = 128
D_OUT = 128


def setup_inputs(seed: int = 0) -> dict:
    key = jax.random.key(seed)
    k1, k2, k3, k4 = jax.random.split(key, 4)
    x = jax.random.normal(k1, (N, D_IN), dtype=jnp.float32)
    edge_index = jax.random.randint(k2, (2, E), 0, N, dtype=jnp.int32)
    # GCNConv linear weight (glorot) and bias (zeros at init; use small random for a non-trivial reference)
    scale = jnp.sqrt(2.0 / (D_IN + D_OUT))
    W = jax.random.normal(k3, (D_IN, D_OUT), dtype=jnp.float32) * scale
    b = jax.random.normal(k4, (D_OUT,), dtype=jnp.float32) * 0.01
    return {"x": x, "edge_index": edge_index, "W": W, "b": b}


def reference(x, edge_index, W, b):
    # GCNConv with add_self_loops=True, normalize=True (PyG defaults):
    #   out = D^{-1/2} (A + I) D^{-1/2} (X W) + b, then ReLU; dropout is identity at inference.
    src = edge_index[0]
    dst = edge_index[1]
    loop = jnp.arange(N, dtype=edge_index.dtype)
    src = jnp.concatenate([src, loop])
    dst = jnp.concatenate([dst, loop])
    # degree computed on destination nodes with edge weight 1.0 (incl. self loops => deg >= 1)
    deg = jnp.zeros((N,), dtype=x.dtype).at[dst].add(1.0)
    dinv = jax.lax.rsqrt(deg)
    norm = dinv[src] * dinv[dst]
    # linear transform first (PyG applies lin before propagate)
    h = x @ W
    # gather messages from source nodes, scale, scatter-add into destination nodes
    msg = h[src] * norm[:, None]
    out = jnp.zeros((N, D_OUT), dtype=x.dtype).at[dst].add(msg)
    out = out + b
    out = jax.nn.relu(out)
    # dropout(p=0.1) is identity in eval mode
    return out

if __name__ == "__main__":
    import jax
    _d = setup_inputs()
    print(jax.jit(kernel)(*tuple(_d.values())))

</pallas_src>

<mosaic_0001>
#map = affine_map<(d0, d1) -> (0, 0)>
module attributes {stable_mosaic.version = 14 : i64} {
  func.func @_deg_kernel(%arg0: i32, %arg1: i32, %arg2: memref<32x10000xi32, #tpu.memory_space<hbm>>, %arg3: memref<32x10000xf32, #tpu.memory_space<hbm>>, %arg4: memref<10000xi32, #tpu.memory_space<vmem>>, %arg5: memref<10000xf32, #tpu.memory_space<vmem>>) attributes {dimension_semantics = [#tpu.dimension_semantics<core_parallel>, #tpu.dimension_semantics<subcore_parallel>], iteration_bounds = array<i64: 2, 16>, scalar_prefetch = 0 : i64, scratch_operands = 2 : i64, tpu.core_type = #tpu.core_type<sc_vector_subcore>, window_params = [{transform_indices = #map}, {transform_indices = #map}]} {
    %mul3A = arith.constant 16 : i32
    %mul3A_0 = arith.muli %arg0, %mul3A : i32
    %add3A = arith.addi %mul3A_0, %arg1 : i32
    "tpu.region"() ({
      %run_scoped3A = tpu.sem_alloc : memref<!tpu.dma_semaphore, #tpu.memory_space<semaphore_mem>>
      %dma_start3A = arith.constant 0 : i32
      %dma_start3A_17 = tpu.memref_slice %arg2[%add3A, %dma_start3A] : memref<32x10000xi32, #tpu.memory_space<hbm>> -> memref<1x10000xi32, #tpu.memory_space<hbm>>
      %dma_start3A_18 = tpu.memref_squeeze %dma_start3A_17 : memref<1x10000xi32, #tpu.memory_space<hbm>> -> memref<10000xi32, #tpu.memory_space<hbm>>
      %dma_start3A_19 = arith.constant 0 : i32
      %dma_start3A_20 = tpu.memref_slice %arg2[%add3A, %dma_start3A_19] : memref<32x10000xi32, #tpu.memory_space<hbm>> -> memref<1x10000xi32, #tpu.memory_space<hbm>>
      %dma_start3A_21 = tpu.memref_squeeze %dma_start3A_20 : memref<1x10000xi32, #tpu.memory_space<hbm>> -> memref<10000xi32, #tpu.memory_space<hbm>>
      tpu.enqueue_dma source(%dma_start3A_21 : memref<10000xi32, #tpu.memory_space<hbm>>) target(%arg4 : memref<10000xi32, #tpu.memory_space<vmem>>) target_semaphore(%run_scoped3A : memref<!tpu.dma_semaphore, #tpu.memory_space<semaphore_mem>>)
      %dma_wait3A = arith.constant 0 : i32
      %dma_wait3A_22 = tpu.memref_slice %arg2[%add3A, %dma_wait3A] : memref<32x10000xi32, #tpu.memory_space<hbm>> -> memref<1x10000xi32, #tpu.memory_space<hbm>>
      %dma_wait3A_23 = tpu.memref_squeeze %dma_wait3A_22 : memref<1x10000xi32, #tpu.memory_space<hbm>> -> memref<10000xi32, #tpu.memory_space<hbm>>
      %dma_wait3A_24 = arith.constant 0 : i32
      %dma_wait3A_25 = tpu.memref_slice %arg2[%add3A, %dma_wait3A_24] : memref<32x10000xi32, #tpu.memory_space<hbm>> -> memref<1x10000xi32, #tpu.memory_space<hbm>>
      %dma_wait3A_26 = tpu.memref_squeeze %dma_wait3A_25 : memref<1x10000xi32, #tpu.memory_space<hbm>> -> memref<10000xi32, #tpu.memory_space<hbm>>
      tpu.wait_dma2 semaphore(%run_scoped3A : memref<!tpu.dma_semaphore, #tpu.memory_space<semaphore_mem>>) src(%dma_wait3A_26 : memref<10000xi32, #tpu.memory_space<hbm>>) dst(%arg4 : memref<10000xi32, #tpu.memory_space<vmem>>)
      tpu.yield
    }) : () -> ()
    %broadcast_in_dim3A = arith.constant 0.000000e+00 : f32
    %broadcast_in_dim3A_1 = vector.broadcast %broadcast_in_dim3A : f32 to vector<16xf32>
    %broadcast_in_dim3A_2 = arith.constant 1.000000e+00 : f32
    %broadcast_in_dim3A_3 = vector.broadcast %broadcast_in_dim3A_2 : f32 to vector<16xf32>
    %scan3A = arith.constant 0 : i32
    %scan3A_4 = arith.constant 0 : i32
    %scan3A_5 = arith.constant 625 : i32
    %scan3A_6 = arith.addi %scan3A_4, %scan3A_5 : i32
    %scan3A_7 = arith.constant 1 : i32
    %scan3A_8 = scf.for %scan3A_17 = %scan3A_4 to %scan3A_6 step %scan3A_7 iter_args(%scan3A_18 = %scan3A) -> (i32)  : i32 {
      %mul3A_19 = arith.constant 16 : i32
      %mul3A_20 = arith.muli %scan3A_17, %mul3A_19 : i32
      %swap3A = arith.index_cast %mul3A_20 : i32 to index
      %swap3A_21 = tpu.vector_load %arg5[%swap3A] {strides = array<i32>} : memref<10000xf32, #tpu.memory_space<vmem>>, vector<16xf32>,
      tpu.vector_store %arg5[%swap3A], %broadcast_in_dim3A_1 {strides = array<i32>} : memref<10000xf32, #tpu.memory_space<vmem>>, vector<16xf32>,
      %scan3A_22 = arith.constant 0 : i32
      scf.yield %scan3A_22 : i32
    }
    %scan3A_9 = arith.constant 625 : i32
    %scan3A_10 = arith.constant 0 : i32
    %scan3A_11 = arith.constant 0 : i32
    %scan3A_12 = arith.constant 625 : i32
    %scan3A_13 = arith.addi %scan3A_11, %scan3A_12 : i32
    %scan3A_14 = arith.constant 1 : i32
    %scan3A_15 = scf.for %scan3A_17 = %scan3A_11 to %scan3A_13 step %scan3A_14 iter_args(%scan3A_18 = %scan3A_10) -> (i32)  : i32 {
      %mul3A_19 = arith.constant 16 : i32
      %mul3A_20 = arith.muli %scan3A_17, %mul3A_19 : i32
      %get3A = arith.index_cast %mul3A_20 : i32 to index
      %get3A_21 = tpu.vector_load %arg4[%get3A] {strides = array<i32>} : memref<10000xi32, #tpu.memory_space<vmem>>, vector<16xi32>,
      tpu.vector_store_idx %arg5[%get3A_21], %broadcast_in_dim3A_3 {add = true} : memref<10000xf32, #tpu.memory_space<vmem>>[vector<16xi32>], vector<16xf32>,
      %scan3A_22 = arith.constant 0 : i32
      scf.yield %scan3A_22 : i32
    }
    %scan3A_16 = arith.constant 625 : i32
    "tpu.region"() ({
      %run_scoped3A = tpu.sem_alloc : memref<!tpu.dma_semaphore, #tpu.memory_space<semaphore_mem>>
      %dma_start3A = arith.constant 0 : i32
      %dma_start3A_17 = tpu.memref_slice %arg3[%add3A, %dma_start3A] : memref<32x10000xf32, #tpu.memory_space<hbm>> -> memref<1x10000xf32, #tpu.memory_space<hbm>>
      %dma_start3A_18 = tpu.memref_squeeze %dma_start3A_17 : memref<1x10000xf32, #tpu.memory_space<hbm>> -> memref<10000xf32, #tpu.memory_space<hbm>>
      %dma_start3A_19 = arith.constant 0 : i32
      %dma_start3A_20 = tpu.memref_slice %arg3[%add3A, %dma_start3A_19] : memref<32x10000xf32, #tpu.memory_space<hbm>> -> memref<1x10000xf32, #tpu.memory_space<hbm>>
      %dma_start3A_21 = tpu.memref_squeeze %dma_start3A_20 : memref<1x10000xf32, #tpu.memory_space<hbm>> -> memref<10000xf32, #tpu.memory_space<hbm>>
      tpu.enqueue_dma source(%arg5 : memref<10000xf32, #tpu.memory_space<vmem>>) target(%dma_start3A_21 : memref<10000xf32, #tpu.memory_space<hbm>>) target_semaphore(%run_scoped3A : memref<!tpu.dma_semaphore, #tpu.memory_space<semaphore_mem>>)
      %dma_wait3A = arith.constant 0 : i32
      %dma_wait3A_22 = tpu.memref_slice %arg3[%add3A, %dma_wait3A] : memref<32x10000xf32, #tpu.memory_space<hbm>> -> memref<1x10000xf32, #tpu.memory_space<hbm>>
      %dma_wait3A_23 = tpu.memref_squeeze %dma_wait3A_22 : memref<1x10000xf32, #tpu.memory_space<hbm>> -> memref<10000xf32, #tpu.memory_space<hbm>>
      %dma_wait3A_24 = arith.constant 0 : i32
      %dma_wait3A_25 = tpu.memref_slice %arg3[%add3A, %dma_wait3A_24] : memref<32x10000xf32, #tpu.memory_space<hbm>> -> memref<1x10000xf32, #tpu.memory_space<hbm>>
      %dma_wait3A_26 = tpu.memref_squeeze %dma_wait3A_25 : memref<1x10000xf32, #tpu.memory_space<hbm>> -> memref<10000xf32, #tpu.memory_space<hbm>>
      tpu.wait_dma2 semaphore(%run_scoped3A : memref<!tpu.dma_semaphore, #tpu.memory_space<semaphore_mem>>) src(%arg5 : memref<10000xf32, #tpu.memory_space<vmem>>) dst(%dma_wait3A_26 : memref<10000xf32, #tpu.memory_space<hbm>>)
      tpu.yield
    }) : () -> ()
    return
  }
}

#map = affine_map<(d0, d1) -> (0, 0, 0)>
module attributes {stable_mosaic.version = 14 : i64} {
  func.func @_edge_kernel(%arg0: i32, %arg1: i32, %arg2: memref<2x10000x64xf32, #tpu.memory_space<hbm>>, %arg3: memref<16x157x128xi32, #tpu.memory_space<hbm>>, %arg4: memref<16x157x128xi32, #tpu.memory_space<hbm>>, %arg5: memref<2x10000x64xf32, #tpu.memory_space<hbm>>, %arg6: memref<157x128xi32, #tpu.memory_space<vmem>>, %arg7: memref<157x128xi32, #tpu.memory_space<vmem>>, %arg8: memref<128x64xf32, #tpu.memory_space<vmem>>, %arg9: memref<10008x64xf32, #tpu.memory_space<vmem_shared>>) attributes {dimension_semantics = [#tpu.dimension_semantics<core_parallel>, #tpu.dimension_semantics<subcore_parallel>], iteration_bounds = array<i64: 2, 16>, scalar_prefetch = 0 : i64, scratch_operands = 4 : i64, tpu.core_type = #tpu.core_type<sc_vector_subcore>, window_params = [{transform_indices = #map}, {transform_indices = #map}, {transform_indices = #map}, {transform_indices = #map}]} {
    "tpu.region"() ({
      %run_scoped3A = tpu.sem_alloc : memref<!tpu.dma_semaphore, #tpu.memory_space<semaphore_mem>>
      %dma_start3A = arith.constant 0 : i32
      %dma_start3A_14 = arith.constant 0 : i32
      %dma_start3A_15 = tpu.memref_slice %arg3[%arg1, %dma_start3A, %dma_start3A_14] : memref<16x157x128xi32, #tpu.memory_space<hbm>> -> memref<1x157x128xi32, #tpu.memory_space<hbm>>
      %dma_start3A_16 = tpu.memref_squeeze %dma_start3A_15 : memref<1x157x128xi32, #tpu.memory_space<hbm>> -> memref<157x128xi32, #tpu.memory_space<hbm>>
      %dma_start3A_17 = arith.constant 0 : i32
      %dma_start3A_18 = arith.constant 0 : i32
      %dma_start3A_19 = tpu.memref_slice %arg3[%arg1, %dma_start3A_17, %dma_start3A_18] : memref<16x157x128xi32, #tpu.memory_space<hbm>> -> memref<1x157x128xi32, #tpu.memory_space<hbm>>
      %dma_start3A_20 = tpu.memref_squeeze %dma_start3A_19 : memref<1x157x128xi32, #tpu.memory_space<hbm>> -> memref<157x128xi32, #tpu.memory_space<hbm>>
      tpu.enqueue_dma source(%dma_start3A_20 : memref<157x128xi32, #tpu.memory_space<hbm>>) target(%arg6 : memref<157x128xi32, #tpu.memory_space<vmem>>) target_semaphore(%run_scoped3A : memref<!tpu.dma_semaphore, #tpu.memory_space<semaphore_mem>>)
      %dma_wait3A = arith.constant 0 : i32
      %dma_wait3A_21 = arith.constant 0 : i32
      %dma_wait3A_22 = tpu.memref_slice %arg3[%arg1, %dma_wait3A, %dma_wait3A_21] : memref<16x157x128xi32, #tpu.memory_space<hbm>> -> memref<1x157x128xi32, #tpu.memory_space<hbm>>
      %dma_wait3A_23 = tpu.memref_squeeze %dma_wait3A_22 : memref<1x157x128xi32, #tpu.memory_space<hbm>> -> memref<157x128xi32, #tpu.memory_space<hbm>>
      %dma_wait3A_24 = arith.constant 0 : i32
      %dma_wait3A_25 = arith.constant 0 : i32
      %dma_wait3A_26 = tpu.memref_slice %arg3[%arg1, %dma_wait3A_24, %dma_wait3A_25] : memref<16x157x128xi32, #tpu.memory_space<hbm>> -> memref<1x157x128xi32, #tpu.memory_space<hbm>>
      %dma_wait3A_27 = tpu.memref_squeeze %dma_wait3A_26 : memref<1x157x128xi32, #tpu.memory_space<hbm>> -> memref<157x128xi32, #tpu.memory_space<hbm>>
      tpu.wait_dma2 semaphore(%run_scoped3A : memref<!tpu.dma_semaphore, #tpu.memory_space<semaphore_mem>>) src(%dma_wait3A_27 : memref<157x128xi32, #tpu.memory_space<hbm>>) dst(%arg6 : memref<157x128xi32, #tpu.memory_space<vmem>>)
      tpu.yield
    }) : () -> ()
    "tpu.region"() ({
      %run_scoped3A = tpu.sem_alloc : memref<!tpu.dma_semaphore, #tpu.memory_space<semaphore_mem>>
      %dma_start3A = arith.constant 0 : i32
      %dma_start3A_14 = arith.constant 0 : i32
      %dma_start3A_15 = tpu.memref_slice %arg4[%arg1, %dma_start3A, %dma_start3A_14] : memref<16x157x128xi32, #tpu.memory_space<hbm>> -> memref<1x157x128xi32, #tpu.memory_space<hbm>>
      %dma_start3A_16 = tpu.memref_squeeze %dma_start3A_15 : memref<1x157x128xi32, #tpu.memory_space<hbm>> -> memref<157x128xi32, #tpu.memory_space<hbm>>
      %dma_start3A_17 = arith.constant 0 : i32
      %dma_start3A_18 = arith.constant 0 : i32
      %dma_start3A_19 = tpu.memref_slice %arg4[%arg1, %dma_start3A_17, %dma_start3A_18] : memref<16x157x128xi32, #tpu.memory_space<hbm>> -> memref<1x157x128xi32, #tpu.memory_space<hbm>>
      %dma_start3A_20 = tpu.memref_squeeze %dma_start3A_19 : memref<1x157x128xi32, #tpu.memory_space<hbm>> -> memref<157x128xi32, #tpu.memory_space<hbm>>
      tpu.enqueue_dma source(%dma_start3A_20 : memref<157x128xi32, #tpu.memory_space<hbm>>) target(%arg7 : memref<157x128xi32, #tpu.memory_space<vmem>>) target_semaphore(%run_scoped3A : memref<!tpu.dma_semaphore, #tpu.memory_space<semaphore_mem>>)
      %dma_wait3A = arith.constant 0 : i32
      %dma_wait3A_21 = arith.constant 0 : i32
      %dma_wait3A_22 = tpu.memref_slice %arg4[%arg1, %dma_wait3A, %dma_wait3A_21] : memref<16x157x128xi32, #tpu.memory_space<hbm>> -> memref<1x157x128xi32, #tpu.memory_space<hbm>>
      %dma_wait3A_23 = tpu.memref_squeeze %dma_wait3A_22 : memref<1x157x128xi32, #tpu.memory_space<hbm>> -> memref<157x128xi32, #tpu.memory_space<hbm>>
      %dma_wait3A_24 = arith.constant 0 : i32
      %dma_wait3A_25 = arith.constant 0 : i32
      %dma_wait3A_26 = tpu.memref_slice %arg4[%arg1, %dma_wait3A_24, %dma_wait3A_25] : memref<16x157x128xi32, #tpu.memory_space<hbm>> -> memref<1x157x128xi32, #tpu.memory_space<hbm>>
      %dma_wait3A_27 = tpu.memref_squeeze %dma_wait3A_26 : memref<1x157x128xi32, #tpu.memory_space<hbm>> -> memref<157x128xi32, #tpu.memory_space<hbm>>
      tpu.wait_dma2 semaphore(%run_scoped3A : memref<!tpu.dma_semaphore, #tpu.memory_space<semaphore_mem>>) src(%dma_wait3A_27 : memref<157x128xi32, #tpu.memory_space<hbm>>) dst(%arg7 : memref<157x128xi32, #tpu.memory_space<vmem>>)
      tpu.yield
    }) : () -> ()
    %mul3A = arith.constant 625 : i32
    %mul3A_0 = arith.muli %arg1, %mul3A : i32
    %mul3A_1 = arith.constant 625 : i32
    %mul3A_2 = arith.muli %arg1, %mul3A_1 : i32
    "tpu.region"() ({
      %run_scoped3A = tpu.sem_alloc : memref<!tpu.dma_semaphore, #tpu.memory_space<semaphore_mem>>
      %dma_start3A = arith.constant 0 : i32
      %dma_start3A_14 = tpu.memref_slice %arg9[%mul3A_2, %dma_start3A] : memref<10008x64xf32, #tpu.memory_space<vmem_shared>> -> memref<625x64xf32, #tpu.memory_space<vmem_shared>>
      %dma_start3A_15 = arith.constant 0 : i32
      %dma_start3A_16 = arith.constant 0 : i32
      %dma_start3A_17 = tpu.memref_slice %arg2[%arg0, %dma_start3A_15, %dma_start3A_16] : memref<2x10000x64xf32, #tpu.memory_space<hbm>> -> memref<1x10000x64xf32, #tpu.memory_space<hbm>>
      %dma_start3A_18 = tpu.memref_squeeze %dma_start3A_17 : memref<1x10000x64xf32, #tpu.memory_space<hbm>> -> memref<10000x64xf32, #tpu.memory_space<hbm>>
      %dma_start3A_19 = arith.constant 0 : i32
      %dma_start3A_20 = tpu.memref_slice %dma_start3A_18[%mul3A_0, %dma_start3A_19] : memref<10000x64xf32, #tpu.memory_space<hbm>> -> memref<625x64xf32, #tpu.memory_space<hbm>>
      tpu.enqueue_dma source(%dma_start3A_20 : memref<625x64xf32, #tpu.memory_space<hbm>>) target(%dma_start3A_14 : memref<625x64xf32, #tpu.memory_space<vmem_shared>>) target_semaphore(%run_scoped3A : memref<!tpu.dma_semaphore, #tpu.memory_space<semaphore_mem>>)
      %dma_wait3A = arith.constant 0 : i32
      %dma_wait3A_21 = tpu.memref_slice %arg9[%mul3A_2, %dma_wait3A] : memref<10008x64xf32, #tpu.memory_space<vmem_shared>> -> memref<625x64xf32, #tpu.memory_space<vmem_shared>>
      %dma_wait3A_22 = arith.constant 0 : i32
      %dma_wait3A_23 = arith.constant 0 : i32
      %dma_wait3A_24 = tpu.memref_slice %arg2[%arg0, %dma_wait3A_22, %dma_wait3A_23] : memref<2x10000x64xf32, #tpu.memory_space<hbm>> -> memref<1x10000x64xf32, #tpu.memory_space<hbm>>
      %dma_wait3A_25 = tpu.memref_squeeze %dma_wait3A_24 : memref<1x10000x64xf32, #tpu.memory_space<hbm>> -> memref<10000x64xf32, #tpu.memory_space<hbm>>
      %dma_wait3A_26 = arith.constant 0 : i32
      %dma_wait3A_27 = tpu.memref_slice %dma_wait3A_25[%mul3A_0, %dma_wait3A_26] : memref<10000x64xf32, #tpu.memory_space<hbm>> -> memref<625x64xf32, #tpu.memory_space<hbm>>
      tpu.wait_dma2 semaphore(%run_scoped3A : memref<!tpu.dma_semaphore, #tpu.memory_space<semaphore_mem>>) src(%dma_wait3A_27 : memref<625x64xf32, #tpu.memory_space<hbm>>) dst(%dma_wait3A_21 : memref<625x64xf32, #tpu.memory_space<vmem_shared>>)
      tpu.yield
    }) : () -> ()
    %barrier3A = arith.constant 0 : index
    tpu.barrier barrier_id(%barrier3A)
    %scan3A = arith.constant 0 : i32
    %scan3A_3 = arith.constant 0 : i32
    %scan3A_4 = arith.constant 157 : i32
    %scan3A_5 = arith.addi %scan3A_3, %scan3A_4 : i32
    %scan3A_6 = arith.constant 1 : i32
    %scan3A_7 = scf.for %scan3A_14 = %scan3A_3 to %scan3A_5 step %scan3A_6 iter_args(%scan3A_15 = %scan3A) -> (i32)  : i32 {
      "tpu.region"() ({
        %run_scoped3A = tpu.sem_alloc : memref<!tpu.dma_semaphore, #tpu.memory_space<semaphore_mem>>
        %dma_start3A = arith.constant 0 : i32
        %dma_start3A_17 = tpu.memref_slice %arg6[%scan3A_14, %dma_start3A] : memref<157x128xi32, #tpu.memory_space<vmem>> -> memref<1x128xi32, #tpu.memory_space<vmem>>
        %dma_start3A_18 = tpu.memref_squeeze %dma_start3A_17 : memref<1x128xi32, #tpu.memory_space<vmem>> -> memref<128xi32, #tpu.memory_space<vmem>>
        %dma_start3A_19 = arith.constant 0 : i32
        %dma_start3A_20 = arith.constant 0 : i32
        %dma_start3A_21 = tpu.memref_slice %arg2[%arg0, %dma_start3A_19, %dma_start3A_20] : memref<2x10000x64xf32, #tpu.memory_space<hbm>> -> memref<1x10000x64xf32, #tpu.memory_space<hbm>>
        %dma_start3A_22 = tpu.memref_squeeze %dma_start3A_21 : memref<1x10000x64xf32, #tpu.memory_space<hbm>> -> memref<10000x64xf32, #tpu.memory_space<hbm>>
        %dma_start3A_23 = arith.constant 0 : i32
        %dma_start3A_24 = arith.constant 0 : i32
        %dma_start3A_25 = tpu.memref_slice %dma_start3A_22[%dma_start3A_23, %dma_start3A_24] : memref<10000x64xf32, #tpu.memory_space<hbm>> -> memref<10000x64xf32, #tpu.memory_space<hbm>>
        tpu.enqueue_indirect_dma source(%dma_start3A_25 : memref<10000x64xf32, #tpu.memory_space<hbm>>) target(%arg8 : memref<128x64xf32, #tpu.memory_space<vmem>>) offsets(%dma_start3A_18 : memref<128xi32, #tpu.memory_space<vmem>>) semaphore(%run_scoped3A : memref<!tpu.dma_semaphore, #tpu.memory_space<semaphore_mem>>)
        %dma_wait3A = arith.constant 0 : i32
        %dma_wait3A_26 = tpu.memref_slice %arg6[%scan3A_14, %dma_wait3A] : memref<157x128xi32, #tpu.memory_space<vmem>> -> memref<1x128xi32, #tpu.memory_space<vmem>>
        %dma_wait3A_27 = tpu.memref_squeeze %dma_wait3A_26 : memref<1x128xi32, #tpu.memory_space<vmem>> -> memref<128xi32, #tpu.memory_space<vmem>>
        %dma_wait3A_28 = arith.constant 0 : i32
        %dma_wait3A_29 = arith.constant 0 : i32
        %dma_wait3A_30 = tpu.memref_slice %arg2[%arg0, %dma_wait3A_28, %dma_wait3A_29] : memref<2x10000x64xf32, #tpu.memory_space<hbm>> -> memref<1x10000x64xf32, #tpu.memory_space<hbm>>
        %dma_wait3A_31 = tpu.memref_squeeze %dma_wait3A_30 : memref<1x10000x64xf32, #tpu.memory_space<hbm>> -> memref<10000x64xf32, #tpu.memory_space<hbm>>
        %dma_wait3A_32 = arith.constant 0 : i32
        %dma_wait3A_33 = arith.constant 0 : i32
        %dma_wait3A_34 = tpu.memref_slice %dma_wait3A_31[%dma_wait3A_32, %dma_wait3A_33] : memref<10000x64xf32, #tpu.memory_space<hbm>> -> memref<10000x64xf32, #tpu.memory_space<hbm>>
        tpu.wait_indirect_dma semaphore(%run_scoped3A : memref<!tpu.dma_semaphore, #tpu.memory_space<semaphore_mem>>) src(%dma_wait3A_34 : memref<10000x64xf32, #tpu.memory_space<hbm>>) dst(%arg8 : memref<128x64xf32, #tpu.memory_space<vmem>>)
        tpu.yield
      }) : () -> ()
      "tpu.region"() ({
        %run_scoped3A = tpu.sem_alloc : memref<!tpu.dma_semaphore, #tpu.memory_space<semaphore_mem>>
        %dma_start3A = arith.constant 0 : i32
        %dma_start3A_17 = tpu.memref_slice %arg7[%scan3A_14, %dma_start3A] : memref<157x128xi32, #tpu.memory_space<vmem>> -> memref<1x128xi32, #tpu.memory_space<vmem>>
        %dma_start3A_18 = tpu.memref_squeeze %dma_start3A_17 : memref<1x128xi32, #tpu.memory_space<vmem>> -> memref<128xi32, #tpu.memory_space<vmem>>
        %dma_start3A_19 = arith.constant 0 : i32
        %dma_start3A_20 = arith.constant 0 : i32
        %dma_start3A_21 = tpu.memref_slice %arg9[%dma_start3A_19, %dma_start3A_20] : memref<10008x64xf32, #tpu.memory_space<vmem_shared>> -> memref<10008x64xf32, #tpu.memory_space<vmem_shared>>
        tpu.enqueue_indirect_dma source(%arg8 : memref<128x64xf32, #tpu.memory_space<vmem>>) target(%dma_start3A_21 : memref<10008x64xf32, #tpu.memory_space<vmem_shared>>) offsets(%dma_start3A_18 : memref<128xi32, #tpu.memory_space<vmem>>) semaphore(%run_scoped3A : memref<!tpu.dma_semaphore, #tpu.memory_space<semaphore_mem>>) {add = true}
        %dma_wait3A = arith.constant 0 : i32
        %dma_wait3A_22 = tpu.memref_slice %arg7[%scan3A_14, %dma_wait3A] : memref<157x128xi32, #tpu.memory_space<vmem>> -> memref<1x128xi32, #tpu.memory_space<vmem>>
        %dma_wait3A_23 = tpu.memref_squeeze %dma_wait3A_22 : memref<1x128xi32, #tpu.memory_space<vmem>> -> memref<128xi32, #tpu.memory_space<vmem>>
        %dma_wait3A_24 = arith.constant 0 : i32
        %dma_wait3A_25 = arith.constant 0 : i32
        %dma_wait3A_26 = tpu.memref_slice %arg9[%dma_wait3A_24, %dma_wait3A_25] : memref<10008x64xf32, #tpu.memory_space<vmem_shared>> -> memref<10008x64xf32, #tpu.memory_space<vmem_shared>>
        tpu.wait_indirect_dma semaphore(%run_scoped3A : memref<!tpu.dma_semaphore, #tpu.memory_space<semaphore_mem>>) src(%arg8 : memref<128x64xf32, #tpu.memory_space<vmem>>) dst(%dma_wait3A_26 : memref<10008x64xf32, #tpu.memory_space<vmem_shared>>)
        tpu.yield
      }) : () -> ()
      %scan3A_16 = arith.constant 0 : i32
      scf.yield %scan3A_16 : i32
    }
    %scan3A_8 = arith.constant 157 : i32
    %barrier3A_9 = arith.constant 0 : index
    tpu.barrier barrier_id(%barrier3A_9)
    %mul3A_10 = arith.constant 625 : i32
    %mul3A_11 = arith.muli %arg1, %mul3A_10 : i32
    %mul3A_12 = arith.constant 625 : i32
    %mul3A_13 = arith.muli %arg1, %mul3A_12 : i32
    "tpu.region"() ({
      %run_scoped3A = tpu.sem_alloc : memref<!tpu.dma_semaphore, #tpu.memory_space<semaphore_mem>>
      %dma_start3A = arith.constant 0 : i32
      %dma_start3A_14 = arith.constant 0 : i32
      %dma_start3A_15 = tpu.memref_slice %arg5[%arg0, %dma_start3A, %dma_start3A_14] : memref<2x10000x64xf32, #tpu.memory_space<hbm>> -> memref<1x10000x64xf32, #tpu.memory_space<hbm>>
      %dma_start3A_16 = tpu.memref_squeeze %dma_start3A_15 : memref<1x10000x64xf32, #tpu.memory_space<hbm>> -> memref<10000x64xf32, #tpu.memory_space<hbm>>
      %dma_start3A_17 = arith.constant 0 : i32
      %dma_start3A_18 = tpu.memref_slice %dma_start3A_16[%mul3A_13, %dma_start3A_17] : memref<10000x64xf32, #tpu.memory_space<hbm>> -> memref<625x64xf32, #tpu.memory_space<hbm>>
      %dma_start3A_19 = arith.constant 0 : i32
      %dma_start3A_20 = tpu.memref_slice %arg9[%mul3A_11, %dma_start3A_19] : memref<10008x64xf32, #tpu.memory_space<vmem_shared>> -> memref<625x64xf32, #tpu.memory_space<vmem_shared>>
      tpu.enqueue_dma source(%dma_start3A_20 : memref<625x64xf32, #tpu.memory_space<vmem_shared>>) target(%dma_start3A_18 : memref<625x64xf32, #tpu.memory_space<hbm>>) target_semaphore(%run_scoped3A : memref<!tpu.dma_semaphore, #tpu.memory_space<semaphore_mem>>)
      %dma_wait3A = arith.constant 0 : i32
      %dma_wait3A_21 = arith.constant 0 : i32
      %dma_wait3A_22 = tpu.memref_slice %arg5[%arg0, %dma_wait3A, %dma_wait3A_21] : memref<2x10000x64xf32, #tpu.memory_space<hbm>> -> memref<1x10000x64xf32, #tpu.memory_space<hbm>>
      %dma_wait3A_23 = tpu.memref_squeeze %dma_wait3A_22 : memref<1x10000x64xf32, #tpu.memory_space<hbm>> -> memref<10000x64xf32, #tpu.memory_space<hbm>>
      %dma_wait3A_24 = arith.constant 0 : i32
      %dma_wait3A_25 = tpu.memref_slice %dma_wait3A_23[%mul3A_13, %dma_wait3A_24] : memref<10000x64xf32, #tpu.memory_space<hbm>> -> memref<625x64xf32, #tpu.memory_space<hbm>>
      %dma_wait3A_26 = arith.constant 0 : i32
      %dma_wait3A_27 = tpu.memref_slice %arg9[%mul3A_11, %dma_wait3A_26] : memref<10008x64xf32, #tpu.memory_space<vmem_shared>> -> memref<625x64xf32, #tpu.memory_space<vmem_shared>>
      tpu.wait_dma2 semaphore(%run_scoped3A : memref<!tpu.dma_semaphore, #tpu.memory_space<semaphore_mem>>) src(%dma_wait3A_27 : memref<625x64xf32, #tpu.memory_space<vmem_shared>>) dst(%dma_wait3A_25 : memref<625x64xf32, #tpu.memory_space<hbm>>)
      tpu.yield
    }) : () -> ()
    return
  }
}

module attributes {stable_mosaic.version = 14 : i64} {
  func.func @_mm_body(%arg0: i32, %arg1: memref<1000x128xf32, #tpu.memory_space<vmem>>, %arg2: memref<128x128xf32, #tpu.memory_space<vmem>>, %arg3: memref<1000x32xf32, #tpu.memory_space<vmem>>, %arg4: memref<2x1000x64xf32, #tpu.memory_space<vmem>>, %arg5: memref<1000x1xf32, #tpu.memory_space<vmem>>) attributes {dimension_semantics = [#tpu.dimension_semantics<arbitrary>], iteration_bounds = array<i64: 10>, scalar_prefetch = 0 : i64, scratch_operands = 0 : i64, tpu.core_type = #tpu.core_type<tc>, window_params = [{transform_indices = @transform_0, window_bounds = array<i64: 1000, 128>}, {pipeline_mode = #tpu.pipeline_mode<synchronous>, transform_indices = @transform_1, window_bounds = array<i64: 128, 128>}, {transform_indices = @transform_2, window_bounds = array<i64: 1000, 32>}, {transform_indices = @transform_3, window_bounds = array<i64: 2, 1000, 64>}, {transform_indices = @transform_4, window_bounds = array<i64: 1000, 1>}]} {
    %get3A = arith.constant 0 : index
    %get3A_0 = arith.constant 0 : index
    %get3A_1 = vector.load %arg3[%get3A, %get3A_0] : memref<1000x32xf32, #tpu.memory_space<vmem>>, vector<1000x32xf32>
    %reduce_sum3A = arith.constant dense<0.000000e+00> : vector<1000xf32>
    %reduce_sum3A_2 = vector.multi_reduction <add>, %get3A_1, %reduce_sum3A [1] : vector<1000x32xf32> to vector<1000xf32>
    %add3A = arith.constant 1.000000e+00 : f32
    %add3A_3 = vector.broadcast %add3A : f32 to vector<1000xf32>
    %add3A_4 = arith.addf %reduce_sum3A_2, %add3A_3 : vector<1000xf32>
    %rsqrt3A = math.rsqrt %add3A_4 : vector<1000xf32>
    %get3A_5 = arith.constant 0 : index
    %get3A_6 = arith.constant 0 : index
    %get3A_7 = vector.load %arg1[%get3A_5, %get3A_6] : memref<1000x128xf32, #tpu.memory_space<vmem>>, vector<1000x128xf32>
    %get3A_8 = arith.constant 0 : index
    %get3A_9 = arith.constant 0 : index
    %get3A_10 = vector.load %arg2[%get3A_8, %get3A_9] : memref<128x128xf32, #tpu.memory_space<vmem>>, vector<128x128xf32>
    %dot_general3A = arith.constant dense<0.000000e+00> : vector<1000x128xf32>
    %dot_general3A_11 = tpu.matmul %get3A_7, %get3A_10, %dot_general3A {dimension_numbers = #tpu.dot_dimension_numbers<[1], [0], [0], [1], [0, 0, 1, 1], [], []>, transpose_lhs_hint = false} : vector<1000x128xf32>, vector<128x128xf32>, vector<1000x128xf32> -> vector<1000x128xf32>
    %broadcast_in_dim3A = vector.shape_cast %rsqrt3A : vector<1000xf32> to vector<1000x1xf32>
    %mul3A = vector.broadcast %broadcast_in_dim3A : vector<1000x1xf32> to vector<1000x128xf32>
    %mul3A_12 = arith.mulf %dot_general3A_11, %mul3A : vector<1000x128xf32>
    %slice3A = vector.extract_strided_slice %mul3A_12 {offsets = [0, 0], sizes = [1000, 64], strides = [1, 1]} : vector<1000x128xf32> to vector<1000x64xf32>
    %swap3A = arith.constant 0 : index
    %swap3A_13 = arith.constant 0 : index
    %swap3A_14 = arith.constant 0 : index
    %swap3A_15 = vector.load %arg4[%swap3A, %swap3A_13, %swap3A_14] : memref<2x1000x64xf32, #tpu.memory_space<vmem>>, vector<1x1000x64xf32>
    %swap3A_16 = vector.shape_cast %swap3A_15 : vector<1x1000x64xf32> to vector<1000x64xf32>
    %swap3A_17 = vector.shape_cast %slice3A : vector<1000x64xf32> to vector<1x1000x64xf32>
    tpu.vector_store %arg4[%swap3A, %swap3A_13, %swap3A_14], %swap3A_17 {strides = array<i32>} : memref<2x1000x64xf32, #tpu.memory_space<vmem>>, vector<1x1000x64xf32>,
    %slice3A_18 = vector.extract_strided_slice %mul3A_12 {offsets = [0, 64], sizes = [1000, 64], strides = [1, 1]} : vector<1000x128xf32> to vector<1000x64xf32>
    %swap3A_19 = arith.constant 1 : index
    %swap3A_20 = arith.constant 0 : index
    %swap3A_21 = arith.constant 0 : index
    %swap3A_22 = vector.load %arg4[%swap3A_19, %swap3A_20, %swap3A_21] : memref<2x1000x64xf32, #tpu.memory_space<vmem>>, vector<1x1000x64xf32>
    %swap3A_23 = vector.shape_cast %swap3A_22 : vector<1x1000x64xf32> to vector<1000x64xf32>
    %swap3A_24 = vector.shape_cast %slice3A_18 : vector<1000x64xf32> to vector<1x1000x64xf32>
    tpu.vector_store %arg4[%swap3A_19, %swap3A_20, %swap3A_21], %swap3A_24 {strides = array<i32>} : memref<2x1000x64xf32, #tpu.memory_space<vmem>>, vector<1x1000x64xf32>,
    %broadcast_in_dim3A_25 = vector.shape_cast %rsqrt3A : vector<1000xf32> to vector<1000x1xf32>
    %swap3A_26 = arith.constant 0 : index
    %swap3A_27 = arith.constant 0 : index
    %swap3A_28 = vector.load %arg5[%swap3A_26, %swap3A_27] : memref<1000x1xf32, #tpu.memory_space<vmem>>, vector<1000x1xf32>
    tpu.vector_store %arg5[%swap3A_26, %swap3A_27], %broadcast_in_dim3A_25 {strides = array<i32>} : memref<1000x1xf32, #tpu.memory_space<vmem>>, vector<1000x1xf32>,
    return
  }
  func.func @transform_0(%arg0: i32) -> (i32, i32) {
    %c0_i32 = arith.constant 0 : i32
    %c0_i32_0 = arith.constant 0 : i32
    return %arg0, %c0_i32 : i32, i32
  }
  func.func @transform_1(%arg0: i32) -> (i32, i32) {
    %c0_i32 = arith.constant 0 : i32
    %c0_i32_0 = arith.constant 0 : i32
    %c0_i32_1 = arith.constant 0 : i32
    return %c0_i32, %c0_i32_0 : i32, i32
  }
  func.func @transform_2(%arg0: i32) -> (i32, i32) {
    %c0_i32 = arith.constant 0 : i32
    %c0_i32_0 = arith.constant 0 : i32
    return %arg0, %c0_i32 : i32, i32
  }
  func.func @transform_3(%arg0: i32) -> (i32, i32, i32) {
    %c0_i32 = arith.constant 0 : i32
    %c0_i32_0 = arith.constant 0 : i32
    %c0_i32_1 = arith.constant 0 : i32
    return %c0_i32, %arg0, %c0_i32_0 : i32, i32, i32
  }
  func.func @transform_4(%arg0: i32) -> (i32, i32) {
    %c0_i32 = arith.constant 0 : i32
    %c0_i32_0 = arith.constant 0 : i32
    return %arg0, %c0_i32 : i32, i32
  }
}

module attributes {stable_mosaic.version = 14 : i64} {
  func.func @_fin_body(%arg0: i32, %arg1: memref<2x1000x64xf32, #tpu.memory_space<vmem>>, %arg2: memref<1000x1xf32, #tpu.memory_space<vmem>>, %arg3: memref<1x128xf32, #tpu.memory_space<vmem>>, %arg4: memref<1000x128xf32, #tpu.memory_space<vmem>>) attributes {dimension_semantics = [#tpu.dimension_semantics<arbitrary>], iteration_bounds = array<i64: 10>, scalar_prefetch = 0 : i64, scratch_operands = 0 : i64, tpu.core_type = #tpu.core_type<tc>, window_params = [{transform_indices = @transform_0, window_bounds = array<i64: 2, 1000, 64>}, {transform_indices = @transform_1, window_bounds = array<i64: 1000, 1>}, {pipeline_mode = #tpu.pipeline_mode<synchronous>, transform_indices = @transform_2, window_bounds = array<i64: 1, 128>}, {transform_indices = @transform_3, window_bounds = array<i64: 1000, 128>}]} {
    %get3A = arith.constant 0 : index
    %get3A_0 = arith.constant 0 : index
    %get3A_1 = arith.constant 0 : index
    %get3A_2 = vector.load %arg1[%get3A, %get3A_0, %get3A_1] : memref<2x1000x64xf32, #tpu.memory_space<vmem>>, vector<1x1000x64xf32>
    %get3A_3 = vector.shape_cast %get3A_2 : vector<1x1000x64xf32> to vector<1000x64xf32>
    %get3A_4 = arith.constant 1 : index
    %get3A_5 = arith.constant 0 : index
    %get3A_6 = arith.constant 0 : index
    %get3A_7 = vector.load %arg1[%get3A_4, %get3A_5, %get3A_6] : memref<2x1000x64xf32, #tpu.memory_space<vmem>>, vector<1x1000x64xf32>
    %get3A_8 = vector.shape_cast %get3A_7 : vector<1x1000x64xf32> to vector<1000x64xf32>
    %concatenate3A = tpu.concatenate %get3A_3, %get3A_8 in 1 : vector<1000x64xf32>, vector<1000x64xf32> -> vector<1000x128xf32>
    %get3A_9 = arith.constant 0 : index
    %get3A_10 = arith.constant 0 : index
    %get3A_11 = vector.load %arg2[%get3A_9, %get3A_10] : memref<1000x1xf32, #tpu.memory_space<vmem>>, vector<1000x1xf32>
    %mul3A = vector.broadcast %get3A_11 : vector<1000x1xf32> to vector<1000x128xf32>
    %mul3A_12 = arith.mulf %concatenate3A, %mul3A : vector<1000x128xf32>
    %get3A_13 = arith.constant 0 : index
    %get3A_14 = arith.constant 0 : index
    %get3A_15 = vector.load %arg3[%get3A_13, %get3A_14] : memref<1x128xf32, #tpu.memory_space<vmem>>, vector<1x128xf32>
    %add3A = vector.broadcast %get3A_15 : vector<1x128xf32> to vector<1000x128xf32>
    %add3A_16 = arith.addf %mul3A_12, %add3A : vector<1000x128xf32>
    %max3A = arith.constant 0.000000e+00 : f32
    %max3A_17 = vector.broadcast %max3A : f32 to vector<1000x128xf32>
    %max3A_18 = arith.maximumf %add3A_16, %max3A_17 : vector<1000x128xf32>
    %swap3A = arith.constant 0 : index
    %swap3A_19 = arith.constant 0 : index
    %swap3A_20 = vector.load %arg4[%swap3A, %swap3A_19] : memref<1000x128xf32, #tpu.memory_space<vmem>>, vector<1000x128xf32>
    tpu.vector_store %arg4[%swap3A, %swap3A_19], %max3A_18 {strides = array<i32>} : memref<1000x128xf32, #tpu.memory_space<vmem>>, vector<1000x128xf32>,
    return
  }
  func.func @transform_0(%arg0: i32) -> (i32, i32, i32) {
    %c0_i32 = arith.constant 0 : i32
    %c0_i32_0 = arith.constant 0 : i32
    %c0_i32_1 = arith.constant 0 : i32
    return %c0_i32, %arg0, %c0_i32_0 : i32, i32, i32
  }
  func.func @transform_1(%arg0: i32) -> (i32, i32) {
    %c0_i32 = arith.constant 0 : i32
    %c0_i32_0 = arith.constant 0 : i32
    return %arg0, %c0_i32 : i32, i32
  }
  func.func @transform_2(%arg0: i32) -> (i32, i32) {
    %c0_i32 = arith.constant 0 : i32
    %c0_i32_0 = arith.constant 0 : i32
    %c0_i32_1 = arith.constant 0 : i32
    return %c0_i32, %c0_i32_0 : i32, i32
  }
  func.func @transform_3(%arg0: i32) -> (i32, i32) {
    %c0_i32 = arith.constant 0 : i32
    %c0_i32_0 = arith.constant 0 : i32
    return %arg0, %c0_i32 : i32, i32
  }
}

</mosaic_0001>

<sc_bundles>
// kernel: kernel.6.cloned.1.call-start
scs
__scs_entry_jumppad:
0x0: {  	(pc) =	sbr.rel $0x88, $3  }
0x1: {  	(tag) =	ssettag $0x0;
	lr =	simm.s32 $0x1  }
0x2: {  	[smem:$0x3F9D] =	sst lr;
	_ =	strace $0xD0000000  }
0x3: {  	_ = 	snop  }
0x4: {  	_ = 	snop  }
0x5: {  	_ = 	snop  }
0x6: {  	_ = 	snop  }
0x7: {  	_ = 	snop  }
__scs_overlays_trampoline_lowered:
0x8: {  	[smem:$0x3FAC] =	sst s0  }
0x9: {  	[smem:$0x3FAD] =	sst s1  }
0xa: {  	[smem:$0x3FAE] =	sst s2  }
0xb: {  	[smem:$0x3FAF] =	sst s3  }
0xc: {  	[smem:$0x3FB0] =	sst s4  }
0xd: {  	[smem:$0x3FB1] =	sst s5  }
0xe: {  	[smem:$0x3FB2] =	sst s6  }
0xf: {  	[smem:$0x3FB3] =	sst s7  }
0x10: {  	[smem:$0x3FB4] =	sst s8  }
0x11: {  	[smem:$0x3FB5] =	sst s9;
	s0 =	simm.s32 @!p0 $0x0  }
0x12: {  	s1 =	sld [smem:$0x3F9B];
	s0 =	simm.s32 @p0 $0x1  }
0x13: {  	[smem:$0x3FB6] =	sst s0;
	s0 =	simm.s32 @!p1 $0x0  }
0x14: {  	s2 =	sld [smem:$0x3F9A];
	s0 =	simm.s32 @p1 $0x1  }
0x15: {  	[smem:$0x3FB7] =	sst s0;
	s0 =	simm.s32 @!p2 $0x0  }
0x16: {  	s3 =	sld [smem:$0x3FDB];
	s0 =	simm.s32 @p2 $0x1  }
0x17: {  	s4 =	simm.s32 $0x1BF5;
	[smem:$0x3FB9] =	sst s0  }
0x18: {  	s0 =	sld [smem:$0x3F9C];
	_ =	swait.ge [sflag:s4], $0x0  }
0x19: {  	s7 =	sld [smem:$0x3F9D]  }
0x1a: {  	s8 =	sadd.s32 $0xFFFFE003, lr  }
0x1b: {  	s9 =	sadd.s32 $0xFFFFFEF7, lr;
	s5 =	simm.s32 $0xFFFFFFFF;
	p2 =	slt.u32 s8, $0xFFFFF086  }
0x1c: {  	p1 =	slt.u32 s9, $0xF7A;
	s5 =	simm.s32 @!p2 $0x0  }
0x1d: {  	s5 =	simm.s32 @p1 $0x1;
	p0 =	seq.s32 s7, s2  }
0x1e: {  	s7 =	smul.u32 @!p0 $0xF7A, s2;
	p2 =	seq.s32 @!p0 s5, $0x0  }
0x1f: {  	s9 =	smul.u32 $0xF7A, s1;
	s8 =	simm.s32 @!p0 $0x1BF5;
	p2 =	por !p2, p0  }
0x20: {  	[sflag:s8] =	ssyncset.s32 @!p0 $0xFFFFF086;
	s6 =	sadd.s32 @!p0 s3, s7;
	s7 =	simm.s32 @!p0 $0x108  }
0x21: {  	s3 =	sadd.s32 s3, s9;
	s6 =	sadd.s32 @!p0 $0x88, s6;
	s7 =	simm.s32 @p2 $0x1082  }
0x22: {  	[simem:s7], [sflag:s8] =	dma.local @!p0 [hbm:s6], $0xF7A  }
0x23: {  	s9 =	sor.u32 $0xD0000000, s2;
	s6 =	simm.s32 $0x108;
	_ =	swait.ge @!p0 [sflag:s8], $0x0  }
0x24: {  	s3 =	sadd.s32 $0x88, s3;
	s6 =	simm.s32 @!p1 $0x1082;
	[sflag:s4] =	ssyncset.s32 $0xFFFFF086  }
0x25: {  	[simem:s6], [sflag:s4] =	dma.local [hbm:s3], $0xF7A  }
0x26: {  	[smem:$0x3F9D] =	sst s1;
	(tag) =	ssettag s2;
	_ =	strace s9  }
0x27: {  	s1 =	sld [smem:$0x3FAD]  }
0x28: {  	s2 =	sld [smem:$0x3FAE]  }
0x29: {  	s4 =	sld [smem:$0x3FB0]  }
0x2a: {  	p0 =	seq.s32 s5, $0x0;
	s5 =	sld [smem:$0x3FB1]  }
0x2b: {  	s6 =	sld [smem:$0x3FB2]  }
0x2c: {  	s7 =	sld [smem:$0x3FB3]  }
0x2d: {  	s3 =	simm.s32 $0x108;
	s8 =	sld [smem:$0x3FB4]  }
0x2e: {  	s3 =	simm.s32 @!p0 $0x1082;
	s9 =	sld [smem:$0x3FB5]  }
0x2f: {  	lr =	sadd.s32 s0, s3;
	s0 =	sld [smem:$0x3FAC]  }
0x30: {  	s3 =	sld [smem:$0x3FAF]  }
0x31: {  	[smem:$0x3FB8] =	sst s10  }
0x32: {  	s10 =	sld [smem:$0x3FB6];
	_ =	sdelay $0x3  }
0x33: {  	p0 =	seq.s32 s10, $0x1;
	s10 =	sld [smem:$0x3FB8];
	_ =	sdelay $0x3  }
0x34: {  	[smem:$0x3FB8] =	sst s10  }
0x35: {  	s10 =	sld [smem:$0x3FB7];
	_ =	sdelay $0x3  }
0x36: {  	p1 =	seq.s32 s10, $0x1;
	s10 =	sld [smem:$0x3FB8];
	_ =	sdelay $0x3  }
0x37: {  	[smem:$0x3FB8] =	sst s10  }
0x38: {  	s10 =	sld [smem:$0x3FB9]  }
0x39: {  	_ = 	snop;
	(pc) =	sbr.ind lr, $3  }
0x3a: {  	_ = 	snop  }
0x3b: {  	_ = 	snop  }
0x3c: {  	p2 =	seq.s32 s10, $0x1;
	s10 =	sld [smem:$0x3FB8]  }
0x3d: {  	_ =	shalt  }
0x3e: {  	_ =	shalt  }
0x3f: {  	_ =	shalt  }
0x40: {  	_ =	shalt  }
0x41: {  	_ =	shalt  }
0x42: {  	_ =	shalt  }
0x43: {  	_ =	shalt  }
0x44: {  	_ =	shalt  }
0x45: {  	_ =	shalt  }
0x46: {  	_ =	shalt  }
0x47: {  	_ =	shalt  }
0x48: {  	_ =	shalt  }
0x49: {  	_ =	shalt  }
0x4a: {  	_ =	shalt  }
0x4b: {  	_ =	shalt  }
0x4c: {  	_ =	shalt  }
0x4d: {  	_ =	shalt  }
0x4e: {  	_ =	shalt  }
0x4f: {  	_ =	shalt  }
0x50: {  	_ =	shalt  }
0x51: {  	_ =	shalt  }
0x52: {  	_ =	shalt  }
0x53: {  	_ =	shalt  }
0x54: {  	_ =	shalt  }
0x55: {  	_ =	shalt  }
0x56: {  	_ =	shalt  }
0x57: {  	_ =	shalt  }
0x58: {  	_ =	shalt  }
0x59: {  	_ =	shalt  }
0x5a: {  	_ =	shalt  }
0x5b: {  	_ =	shalt  }
0x5c: {  	_ =	shalt  }
0x5d: {  	_ =	shalt  }
0x5e: {  	_ =	shalt  }
0x5f: {  	_ =	shalt  }
0x60: {  	_ =	shalt  }
0x61: {  	_ =	shalt  }
0x62: {  	_ =	shalt  }
0x63: {  	_ =	shalt  }
0x64: {  	_ =	shalt  }
0x65: {  	_ =	shalt  }
0x66: {  	_ =	shalt  }
0x67: {  	_ =	shalt  }
0x68: {  	_ =	shalt  }
0x69: {  	_ =	shalt  }
0x6a: {  	_ =	shalt  }
0x6b: {  	_ =	shalt  }
0x6c: {  	_ =	shalt  }
0x6d: {  	_ =	shalt  }
0x6e: {  	_ =	shalt  }
0x6f: {  	_ =	shalt  }
0x70: {  	_ =	shalt  }
0x71: {  	_ =	shalt  }
0x72: {  	_ =	shalt  }
0x73: {  	_ =	shalt  }
0x74: {  	_ =	shalt  }
0x75: {  	_ =	shalt  }
0x76: {  	_ =	shalt  }
0x77: {  	_ =	shalt  }
0x78: {  	_ =	shalt  }
0x79: {  	_ =	shalt  }
0x7a: {  	_ =	shalt  }
0x7b: {  	_ =	shalt  }
0x7c: {  	_ =	shalt  }
0x7d: {  	_ =	shalt  }
0x7e: {  	_ =	shalt  }
0x7f: {  	_ =	shalt  }
0x80: {  	_ =	shalt  }
0x81: {  	_ =	shalt  }
0x82: {  	_ =	shalt  }
0x83: {  	_ =	shalt  }
0x84: {  	_ =	shalt  }
0x85: {  	_ =	shalt  }
0x86: {  	_ =	shalt  }
0x87: {  	_ =	shalt  }
.Lfunc_end0:
.L_simem_size_0:
called_computation_lowered:
.L_overlay_start_0:
0x88: {  	s2 =	sld [smem:$0x3FD9]  }
0x89: {  	s3 =	sld [smem:$0x3FFE];
	_ =	sdelay $0x1  }
0x8a: {  	s1 =	srdreg.scid  }
0x8b: {  	s0 =	sand.u32 $0x1, s1  }
0x8c: {  	s17 =	sshll.u32 s0, $0xA;
	s2 =	sadd.s32 s3, s2  }
0x8d: {  	s2 =	sadd.s32 s2, s17  }
0x8e: {  	[smem:$0x3FC4] =	sst s2  }
0x8f: {  	_ = 	snop  }
0x90: {  	s2 =	sld [smem:$0x3FD0];
	(tm) =	ssettm $0x1  }
0x91: {  	s18 =	sld [smem:$0x3FFB];
	_ =	sdelay $0x3  }
0x92: {  	_ =	strace s18  }
0x93: {  	s3 =	sld [smem:$0x3FFC];
	_ =	sdelay $0x3  }
0x94: {  	_ =	strace s3  }
0x95: {  	s3 =	sld [smem:$0x3FFD];
	_ =	sdelay $0x3  }
0x96: {  	_ =	strace s3  }
0x97: {  	_ =	strace $0x8FFFFFFF  }
0x98: {  	s19 =	sld [smem:$0x3FDB];
	_ =	sdelay $0x1  }
0x99: {  	s4 =	simm.s32 $_scs_section_size  }
0x9a: {  	s5 =	simm.s32 $_size__tile_overlayer_lowered;
	s6 =	simm.s32 $_tile_overlayer_lowered  }
0x9b: {  	s22 =	simm.s32 $0x1BFF;
	s21 =	sshll.u32 s6, $0x1;
	s3 =	sadd.s32 s4, s19  }
0x9c: {  	s7 =	simm.s32 $0x0;
	s20 =	sshll.u32 s5, $0x1;
	s5 =	sadd.s32 s21, s3  }
0x9d: {  	[timem:s7], [sflag:s22] =	dma.local [hbm:s5], s20  }
0x9e: {  	_ =	swait.ge [sflag:s22], s20  }
0x9f: {  	s4 =	ssub.s32 $0x0, s20;
	[sflag:s22] =	ssyncset.done $0x0  }
0xa0: {  	[sflag:s22] =	ssyncadd.s32 s4;
	_ =	sdelay $0x1  }
0xa1: {  	s23 =	simm.s32 $0x1B8B  }
0xa2: {  	_ =	swait.ge [sflag:s23], $0x1  }
0xa3: {  	[sflag:s23] =	ssyncset.done $0x0  }
0xa4: {  	s25 =	simm.s32 $0x1B8E;
	s24 =	sld [smem:$0x3FFE];
	[sflag:s23] =	ssyncadd.s32 $0xFFFFFFFF  }
0xa5: {  	s26 =	simm.s32 $execute0_lowered;
	[smem:$0x3FD2] =	sst s25  }
0xa6: {  	s5 =	sshll.u32 s26, $0x1;
	_ =	strace $0x80000046;
	[dreg:$0x1] =	wrdreg $0xFFFFFFFF  }
0xa7: {  	s28 =	simm.s32 $_size_execute0_lowered;
	s3 =	sadd.s32 s3, s5;
	[dreg:$0x0] =	wrdreg $0x0  }
0xa8: {  	s5 =	sshll.u32 s28, $0x1;
	[dreg:$0x2] =	wrdreg s3  }
0xa9: {  	[dreg:$0x3] =	wrdreg s5  }
0xaa: {  	[dreg:$0x4] =	wrdreg $0xC0  }
0xab: {  	_ =	task [dreg:s7], $0x5FFFF  }
0xac: {  	[dreg:$0x1] =	wrdreg $0xFFFFFFFF  }
0xad: {  	[dreg:$0x0] =	wrdreg $0x60  }
0xae: {  	[dreg:$0x2] =	wrdreg s2  }
0xaf: {  	[dreg:$0x3] =	wrdreg s24  }
0xb0: {  	[dreg:$0x4] =	wrdreg $0x9  }
0xb1: {  	_ =	task.clear_ibuf [dreg:s7], $0x5FFFF;
	_ =	strace $0x90000046  }
0xb2: {  	s29 =	simm.s32 $0x9;
	_ =	strace $0x80000048  }
0xb3: {  	_ =	swait.ge [sflag:s29], $0x1  }
0xb4: {  	[sflag:s29] =	ssyncadd.s32 $0xFFFFFFFF  }
0xb5: {  	_ =	strace $0x90000048  }
0xb6: {  	_ =	sfence  }
0xb7: {  	s30 =	sld [smem:$0x0];
	_ =	sdelay $0x2  }
0xb8: {  	s31 =	sshll.u32 s1, $0xD;
	s1 =	sshrl.u32 s1, $0x2  }
0xb9: {  	s3 =	sand.u32 $0x4000, s31;
	s1 =	sadd.s32 s1, s30  }
0xba: {  	s0 =	sor.u32 s3, s0;
	s1 =	sshll.u32 s1, $0x11  }
0xbb: {  	s0 =	sor.u32 s1, s0  }
0xbc: {  	s0 =	sadd.s32 $0x8F2B, s0  }
0xbd: {  	[sflag:s0] =	ssyncadd.remote.s32 $0x1  }
0xbe: {  	_ =	sfence.sel $0xFFFF  }
0xbf: {  	[dreg:$0x0] =	wrdreg $0xFFFFFFFF;
	(pc) =	sbr.abs _section_cstart, $3  }
0xc0: {  	[dreg:$0x1] =	wrdreg $0xFFFFFFFF  }
0xc1: {  	_ =	task.clear_ibuf [dreg:s7], $0x2FFFF;
	_ =	strace $0x9FFFFFFF  }
0xc2: {  	(tm) =	ssettm $0x7FFFFFFF  }
0xc3: {  	_ =	shalt  }
tec
execute0_lowered:
.L_overlay_start_1:
0x0: {  	(tag) =	ssettag $0x1  }
0x1: {  	s0 =	srdreg.scid;
	s3 =	rddreg [dreg:$0x0]  }
0x2: {  	s5 =	rddreg [dreg:$0x1];
	s4 =	sand.u32 $0x1, s0  }
0x3: {  	s1 =	stileid.u32;
	s8 =	simm.s32 $0x0;
	s2 =	sshll.u32 s4, $0x4  }
0x4: {  	s4 =	ssub.s32 $0x2, s4;
	s6 =	sor.u32 s1, s2;
	s2 =	simm.s32 $0x0  }
0x5: {  	s7 =	sshrl.u32 s4, $0x1;
	s6 =	smul.u32 $0x4E2, s6;
	[smem:$0x7FF] =	sst s2  }
0x6: {  	s0 =	rddreg [dreg:$0x2];
	s7 =	ssub.s32 s4, s7;
	_ =	strace $0x80000047  }
0x7: {  	s5 =	sadd.s32 s6, s5;
	s3 =	sadd.s32 s3, s6;
	s6 =	simm.s32 $0x1  }
0x8: {  	v0 =	vimm.f32 $0.0e+00;
	v1 =	vimm.f32 $1.000000000e+00;
	s4 =	sadd.s32 $0x1000, s5;
	s5 =	smax.u32 s7, $0x1;
	s7 =	simm.s32 $0x2710  }
.LBB2_1:
0x9: {  	[tilespmem:s2], [sflag:$0x1] =	stream.linear.gather [hbm4b:s3+s2], $0x2710, $0x38;
	[tilespmem:$0x4E20] =	vst v63  }
0xa: {  	_ =	swait.ge [sflag:s6], $0x2710  }
0xb: {  	[sflag:s6] =	ssyncset.done $0x0  }
0xc: {  	s9 =	simm.s32 $0x0;
	[sflag:s6] =	ssyncadd.s32 $0xFFFFD8F0  }
.LBB2_2:
0xd: {  	p0 =	sne.s32 s9, $0x9C00  }
.Ltmp0:
0xe: {  	_ = 	snop;
	(pc) =	sbr.rel @p0 .LBB2_2-.Ltmp0, $3  }
0xf: {  	_ =	sdelay $0x1  }
0x10: {  	s10 =	sshra.s32 s9, $0x2  }
0x11: {  	s9 =	sadd.s32 $0x40, s9;
	[tilespmem:s10+$0x2710] =	vst v0  }
0x12: {  	s10 =	simm.s32 $0x0;
	s9 =	simm.s32 $0x40  }
.LBB2_4:
0x13: {  	p0 =	sne.s32 s9, $0x9C00;
	v2 =	vld [tilespmem:s10+$0x0];
	_ =	sdelay $0x3  }
.Ltmp1:
0x14: {  	(pc) =	sbr.rel @p0 .LBB2_4-.Ltmp1, $2  }
0x15: {  	_ =	sdelay $0x2  }
0x16: {  	s10 =	sshra.s32 s9, $0x2;
	s9 =	sadd.s32 $0x40, s9;
	[tilespmem:v2+s7+$0x0] =	vst.idx.add.f32.msk $0xffff, v1  }
0x17: {  	v2 =	vld [tilespmem:s10+$0x0];
	_ =	sdelay $0x5  }
0x18: {  	s8 =	sadd.s32 $0x1, s8  }
0x19: {  	p0 =	sne.s32 s8, s5  }
.Ltmp2:
0x1a: {  	[tilespmem:v2+s7+$0x0] =	vst.idx.add.f32.msk $0xffff, v1;
	(pc) =	sbr.rel @p0 .LBB2_1-.Ltmp2, $4  }
0x1b: {  	[hbm4b:s4+s2] =	stream.linear.scatter [tilespmem:s7], [sflag:$0x1], $0x2710, $0x38;
	[tilespmem:$0x4E20] =	vst v63  }
0x1c: {  	_ =	swait.ge [sflag:s6], $0x2710  }
0x1d: {  	[sflag:s6] =	ssyncset.done $0x0  }
0x1e: {  	[sflag:s6] =	ssyncadd.s32 $0xFFFFD8F0  }
0x1f: {  	_ =	sfence.sel $0x180000  }
0x20: {  	[bflag:$0x0] =	sbarrier.arrive $0xFFFF  }
0x21: {  	p0 =	sne.s32 s1, $0x0;
	_ =	strace $0x90000047  }
0x22: {  	s0 =	sadd.s32 @!p0 $0x100000, s0;
	[bflag:$0x2] =	sbarrier.arrive $0xFFFF  }
0x23: {  	[sflag:s0] =	ssyncadd.tile.s32 @!p0 $0x1;
	_ =	shalt  }
.Lfunc_end2:
_tile_overlayer_lowered:
.L_overlay_start_2:
0x24: {  	(tag) =	ssettag $0x2  }
0x25: {  	s0 =	rddreg [dreg:$0x0];
	s2 =	stileid.u32  }
0x26: {  	s1 =	rddreg [dreg:$0x1];
	p0 =	sne.s32 s2, $0x0  }
0x27: {  	s3 =	rddreg [dreg:$0x2];
	[bflag:$0x3] =	sbarrier.arrive $0xFFFF;
	s2 =	simm.s32 @!p0 $0x1C01  }
0x28: {  	[timem:s3], [sflag:s2] =	dma.local @!p0 [hbm:s0], s1  }
0x29: {  	s0 =	simm.s32 @!p0 $0x1  }
0x2a: {  	_ =	swait.ge @!p0 [sflag:s0], s1  }
0x2b: {  	s1 =	ssub.s32 @!p0 $0x0, s1;
	[sflag:s0] =	ssyncset.done @!p0 $0x0  }
0x2c: {  	[sflag:s0] =	ssyncadd.s32 @!p0 s1  }
0x2d: {  	[bflag:$0x3] =	sbarrier.arrive $0xFFFF  }
0x2e: {  	_ =	shalt  }

// kernel: kernel.9.cloned.1.call-start
scs
__scs_entry_jumppad:
0x0: {  	(pc) =	sbr.rel $0x88, $3  }
0x1: {  	(tag) =	ssettag $0x0;
	lr =	simm.s32 $0x1  }
0x2: {  	[smem:$0x3F9D] =	sst lr;
	_ =	strace $0xD0000000  }
0x3: {  	_ = 	snop  }
0x4: {  	_ = 	snop  }
0x5: {  	_ = 	snop  }
0x6: {  	_ = 	snop  }
0x7: {  	_ = 	snop  }
__scs_overlays_trampoline_lowered:
0x8: {  	[smem:$0x3FAC] =	sst s0  }
0x9: {  	[smem:$0x3FAD] =	sst s1  }
0xa: {  	[smem:$0x3FAE] =	sst s2  }
0xb: {  	[smem:$0x3FAF] =	sst s3  }
0xc: {  	[smem:$0x3FB0] =	sst s4  }
0xd: {  	[smem:$0x3FB1] =	sst s5  }
0xe: {  	[smem:$0x3FB2] =	sst s6  }
0xf: {  	[smem:$0x3FB3] =	sst s7  }
0x10: {  	[smem:$0x3FB4] =	sst s8  }
0x11: {  	[smem:$0x3FB5] =	sst s9;
	s0 =	simm.s32 @!p0 $0x0  }
0x12: {  	s1 =	sld [smem:$0x3F9B];
	s0 =	simm.s32 @p0 $0x1  }
0x13: {  	[smem:$0x3FB6] =	sst s0;
	s0 =	simm.s32 @!p1 $0x0  }
0x14: {  	s2 =	sld [smem:$0x3F9A];
	s0 =	simm.s32 @p1 $0x1  }
0x15: {  	[smem:$0x3FB7] =	sst s0;
	s0 =	simm.s32 @!p2 $0x0  }
0x16: {  	s3 =	sld [smem:$0x3FDB];
	s0 =	simm.s32 @p2 $0x1  }
0x17: {  	s4 =	simm.s32 $0x1BF5;
	[smem:$0x3FB9] =	sst s0  }
0x18: {  	s0 =	sld [smem:$0x3F9C];
	_ =	swait.ge [sflag:s4], $0x0  }
0x19: {  	s7 =	sld [smem:$0x3F9D]  }
0x1a: {  	s8 =	sadd.s32 $0xFFFFE003, lr  }
0x1b: {  	s9 =	sadd.s32 $0xFFFFFEF7, lr;
	s5 =	simm.s32 $0xFFFFFFFF;
	p2 =	slt.u32 s8, $0xFFFFF086  }
0x1c: {  	p1 =	slt.u32 s9, $0xF7A;
	s5 =	simm.s32 @!p2 $0x0  }
0x1d: {  	s5 =	simm.s32 @p1 $0x1;
	p0 =	seq.s32 s7, s2  }
0x1e: {  	s7 =	smul.u32 @!p0 $0xF7A, s2;
	p2 =	seq.s32 @!p0 s5, $0x0  }
0x1f: {  	s9 =	smul.u32 $0xF7A, s1;
	s8 =	simm.s32 @!p0 $0x1BF5;
	p2 =	por !p2, p0  }
0x20: {  	[sflag:s8] =	ssyncset.s32 @!p0 $0xFFFFF086;
	s6 =	sadd.s32 @!p0 s3, s7;
	s7 =	simm.s32 @!p0 $0x108  }
0x21: {  	s3 =	sadd.s32 s3, s9;
	s6 =	sadd.s32 @!p0 $0x88, s6;
	s7 =	simm.s32 @p2 $0x1082  }
0x22: {  	[simem:s7], [sflag:s8] =	dma.local @!p0 [hbm:s6], $0xF7A  }
0x23: {  	s9 =	sor.u32 $0xD0000000, s2;
	s6 =	simm.s32 $0x108;
	_ =	swait.ge @!p0 [sflag:s8], $0x0  }
0x24: {  	s3 =	sadd.s32 $0x88, s3;
	s6 =	simm.s32 @!p1 $0x1082;
	[sflag:s4] =	ssyncset.s32 $0xFFFFF086  }
0x25: {  	[simem:s6], [sflag:s4] =	dma.local [hbm:s3], $0xF7A  }
0x26: {  	[smem:$0x3F9D] =	sst s1;
	(tag) =	ssettag s2;
	_ =	strace s9  }
0x27: {  	s1 =	sld [smem:$0x3FAD]  }
0x28: {  	s2 =	sld [smem:$0x3FAE]  }
0x29: {  	s4 =	sld [smem:$0x3FB0]  }
0x2a: {  	p0 =	seq.s32 s5, $0x0;
	s5 =	sld [smem:$0x3FB1]  }
0x2b: {  	s6 =	sld [smem:$0x3FB2]  }
0x2c: {  	s7 =	sld [smem:$0x3FB3]  }
0x2d: {  	s3 =	simm.s32 $0x108;
	s8 =	sld [smem:$0x3FB4]  }
0x2e: {  	s3 =	simm.s32 @!p0 $0x1082;
	s9 =	sld [smem:$0x3FB5]  }
0x2f: {  	lr =	sadd.s32 s0, s3;
	s0 =	sld [smem:$0x3FAC]  }
0x30: {  	s3 =	sld [smem:$0x3FAF]  }
0x31: {  	[smem:$0x3FB8] =	sst s10  }
0x32: {  	s10 =	sld [smem:$0x3FB6];
	_ =	sdelay $0x3  }
0x33: {  	p0 =	seq.s32 s10, $0x1;
	s10 =	sld [smem:$0x3FB8];
	_ =	sdelay $0x3  }
0x34: {  	[smem:$0x3FB8] =	sst s10  }
0x35: {  	s10 =	sld [smem:$0x3FB7];
	_ =	sdelay $0x3  }
0x36: {  	p1 =	seq.s32 s10, $0x1;
	s10 =	sld [smem:$0x3FB8];
	_ =	sdelay $0x3  }
0x37: {  	[smem:$0x3FB8] =	sst s10  }
0x38: {  	s10 =	sld [smem:$0x3FB9]  }
0x39: {  	_ = 	snop;
	(pc) =	sbr.ind lr, $3  }
0x3a: {  	_ = 	snop  }
0x3b: {  	_ = 	snop  }
0x3c: {  	p2 =	seq.s32 s10, $0x1;
	s10 =	sld [smem:$0x3FB8]  }
0x3d: {  	_ =	shalt  }
0x3e: {  	_ =	shalt  }
0x3f: {  	_ =	shalt  }
0x40: {  	_ =	shalt  }
0x41: {  	_ =	shalt  }
0x42: {  	_ =	shalt  }
0x43: {  	_ =	shalt  }
0x44: {  	_ =	shalt  }
0x45: {  	_ =	shalt  }
0x46: {  	_ =	shalt  }
0x47: {  	_ =	shalt  }
0x48: {  	_ =	shalt  }
0x49: {  	_ =	shalt  }
0x4a: {  	_ =	shalt  }
0x4b: {  	_ =	shalt  }
0x4c: {  	_ =	shalt  }
0x4d: {  	_ =	shalt  }
0x4e: {  	_ =	shalt  }
0x4f: {  	_ =	shalt  }
0x50: {  	_ =	shalt  }
0x51: {  	_ =	shalt  }
0x52: {  	_ =	shalt  }
0x53: {  	_ =	shalt  }
0x54: {  	_ =	shalt  }
0x55: {  	_ =	shalt  }
0x56: {  	_ =	shalt  }
0x57: {  	_ =	shalt  }
0x58: {  	_ =	shalt  }
0x59: {  	_ =	shalt  }
0x5a: {  	_ =	shalt  }
0x5b: {  	_ =	shalt  }
0x5c: {  	_ =	shalt  }
0x5d: {  	_ =	shalt  }
0x5e: {  	_ =	shalt  }
0x5f: {  	_ =	shalt  }
0x60: {  	_ =	shalt  }
0x61: {  	_ =	shalt  }
0x62: {  	_ =	shalt  }
0x63: {  	_ =	shalt  }
0x64: {  	_ =	shalt  }
0x65: {  	_ =	shalt  }
0x66: {  	_ =	shalt  }
0x67: {  	_ =	shalt  }
0x68: {  	_ =	shalt  }
0x69: {  	_ =	shalt  }
0x6a: {  	_ =	shalt  }
0x6b: {  	_ =	shalt  }
0x6c: {  	_ =	shalt  }
0x6d: {  	_ =	shalt  }
0x6e: {  	_ =	shalt  }
0x6f: {  	_ =	shalt  }
0x70: {  	_ =	shalt  }
0x71: {  	_ =	shalt  }
0x72: {  	_ =	shalt  }
0x73: {  	_ =	shalt  }
0x74: {  	_ =	shalt  }
0x75: {  	_ =	shalt  }
0x76: {  	_ =	shalt  }
0x77: {  	_ =	shalt  }
0x78: {  	_ =	shalt  }
0x79: {  	_ =	shalt  }
0x7a: {  	_ =	shalt  }
0x7b: {  	_ =	shalt  }
0x7c: {  	_ =	shalt  }
0x7d: {  	_ =	shalt  }
0x7e: {  	_ =	shalt  }
0x7f: {  	_ =	shalt  }
0x80: {  	_ =	shalt  }
0x81: {  	_ =	shalt  }
0x82: {  	_ =	shalt  }
0x83: {  	_ =	shalt  }
0x84: {  	_ =	shalt  }
0x85: {  	_ =	shalt  }
0x86: {  	_ =	shalt  }
0x87: {  	_ =	shalt  }
.Lfunc_end0:
.L_simem_size_0:
called_computation.1_lowered:
.L_overlay_start_0:
0x88: {  	s2 =	sld [smem:$0x3FD9]  }
0x89: {  	s3 =	sld [smem:$0x3FFE];
	_ =	sdelay $0x1  }
0x8a: {  	s1 =	srdreg.scid  }
0x8b: {  	s0 =	sand.u32 $0x1, s1  }
0x8c: {  	s17 =	sshll.u32 s0, $0xA;
	s2 =	sadd.s32 s3, s2  }
0x8d: {  	s2 =	sadd.s32 s2, s17  }
0x8e: {  	[smem:$0x3FC4] =	sst s2  }
0x8f: {  	_ = 	snop  }
0x90: {  	s2 =	sld [smem:$0x3FD0];
	(tm) =	ssettm $0x1  }
0x91: {  	s18 =	sld [smem:$0x3FFB];
	_ =	sdelay $0x3  }
0x92: {  	_ =	strace s18  }
0x93: {  	s3 =	sld [smem:$0x3FFC];
	_ =	sdelay $0x3  }
0x94: {  	_ =	strace s3  }
0x95: {  	s3 =	sld [smem:$0x3FFD];
	_ =	sdelay $0x3  }
0x96: {  	_ =	strace s3  }
0x97: {  	_ =	strace $0x8FFFFFFF  }
0x98: {  	s19 =	sld [smem:$0x3FDB];
	_ =	sdelay $0x1  }
0x99: {  	s4 =	simm.s32 $_scs_section_size  }
0x9a: {  	s5 =	simm.s32 $_size__tile_overlayer_lowered;
	s6 =	simm.s32 $_tile_overlayer_lowered  }
0x9b: {  	s22 =	simm.s32 $0x1BFF;
	s21 =	sshll.u32 s6, $0x1;
	s3 =	sadd.s32 s4, s19  }
0x9c: {  	s7 =	simm.s32 $0x0;
	s20 =	sshll.u32 s5, $0x1;
	s5 =	sadd.s32 s21, s3  }
0x9d: {  	[timem:s7], [sflag:s22] =	dma.local [hbm:s5], s20  }
0x9e: {  	_ =	swait.ge [sflag:s22], s20  }
0x9f: {  	s4 =	ssub.s32 $0x0, s20;
	[sflag:s22] =	ssyncset.done $0x0  }
0xa0: {  	[sflag:s22] =	ssyncadd.s32 s4;
	_ =	sdelay $0x1  }
0xa1: {  	s23 =	simm.s32 $0x1B8B  }
0xa2: {  	_ =	swait.ge [sflag:s23], $0x1  }
0xa3: {  	[sflag:s23] =	ssyncset.done $0x0  }
0xa4: {  	s25 =	simm.s32 $0x1B8E;
	s24 =	sld [smem:$0x3FFE];
	[sflag:s23] =	ssyncadd.s32 $0xFFFFFFFF  }
0xa5: {  	s26 =	simm.s32 $execute0_lowered;
	[smem:$0x3FD2] =	sst s25  }
0xa6: {  	s5 =	sshll.u32 s26, $0x1;
	_ =	strace $0x80000049;
	[dreg:$0x1] =	wrdreg $0xFFFFFFFF  }
0xa7: {  	s28 =	simm.s32 $_size_execute0_lowered;
	s3 =	sadd.s32 s3, s5;
	[dreg:$0x0] =	wrdreg $0x0  }
0xa8: {  	s5 =	sshll.u32 s28, $0x1;
	[dreg:$0x2] =	wrdreg s3  }
0xa9: {  	[dreg:$0x3] =	wrdreg s5  }
0xaa: {  	[dreg:$0x4] =	wrdreg $0xC0  }
0xab: {  	_ =	task [dreg:s7], $0x5FFFF  }
0xac: {  	[dreg:$0x1] =	wrdreg $0xFFFFFFFF  }
0xad: {  	[dreg:$0x0] =	wrdreg $0x60  }
0xae: {  	[dreg:$0x2] =	wrdreg s2  }
0xaf: {  	[dreg:$0x3] =	wrdreg s24  }
0xb0: {  	[dreg:$0x4] =	wrdreg $0xBD000  }
0xb1: {  	[dreg:$0x5] =	wrdreg $0x9  }
0xb2: {  	_ =	task.clear_ibuf [dreg:s7], $0x6FFFF;
	_ =	strace $0x90000049  }
0xb3: {  	s29 =	simm.s32 $0x9;
	_ =	strace $0x8000004B  }
0xb4: {  	_ =	swait.ge [sflag:s29], $0x1  }
0xb5: {  	[sflag:s29] =	ssyncadd.s32 $0xFFFFFFFF  }
0xb6: {  	_ =	strace $0x9000004B  }
0xb7: {  	_ =	sfence  }
0xb8: {  	s30 =	sld [smem:$0x0];
	_ =	sdelay $0x2  }
0xb9: {  	s31 =	sshll.u32 s1, $0xD;
	s1 =	sshrl.u32 s1, $0x2  }
0xba: {  	s3 =	sand.u32 $0x4000, s31;
	s1 =	sadd.s32 s1, s30  }
0xbb: {  	s0 =	sor.u32 s3, s0;
	s1 =	sshll.u32 s1, $0x11  }
0xbc: {  	s0 =	sor.u32 s1, s0  }
0xbd: {  	s0 =	sadd.s32 $0x8F2B, s0  }
0xbe: {  	[sflag:s0] =	ssyncadd.remote.s32 $0x1  }
0xbf: {  	_ =	sfence.sel $0xFFFF  }
0xc0: {  	[dreg:$0x0] =	wrdreg $0xFFFFFFFF;
	(pc) =	sbr.abs _section_cstart, $3  }
0xc1: {  	[dreg:$0x1] =	wrdreg $0xFFFFFFFF  }
0xc2: {  	_ =	task.clear_ibuf [dreg:s7], $0x2FFFF;
	_ =	strace $0x9FFFFFFF  }
0xc3: {  	(tm) =	ssettm $0x7FFFFFFF  }
tec
execute0_lowered:
.L_overlay_start_1:
0x0: {  	(tag) =	ssettag $0x1  }
0x1: {  	s6 =	rddreg [dreg:$0x0]  }
0x2: {  	s4 =	rddreg [dreg:$0x1]  }
0x3: {  	s2 =	rddreg [dreg:$0x2]  }
0x4: {  	s0 =	rddreg [dreg:$0x3];
	s1 =	stileid.u32  }
0x5: {  	s5 =	srdreg.scid;
	s3 =	simm.s32 $0x0;
	s13 =	simm.s32 $0x80  }
0x6: {  	s14 =	simm.s32 $0x9D00;
	s7 =	smul.u32 $0x9D0, s1;
	s5 =	sand.u32 $0x1, s5  }
0x7: {  	[smem:$0x7FF] =	sst s3;
	s10 =	smul.u32 $0x9C40, s1;
	s31 =	sshll.u32 s1, $0x6  }
0x8: {  	s8 =	smul.u32 $0x13880, s5;
	_ =	strace $0x8000004A;
	s5 =	ssub.s32 $0x2, s5  }
0x9: {  	s7 =	sadd.s32 s7, s4;
	s30 =	sshrl.u32 s5, $0x1;
	s12 =	sadd.s32 s10, s2  }
0xa: {  	s15 =	sshrl.u32 s10, $0x3;
	s9 =	sadd.s32 s8, s4;
	s11 =	ssub.s32 s5, s30  }
0xb: {  	s4 =	sadd.s32 $0x14C00, s7;
	s5 =	sadd.s32 $0xAE00, s7;
	s6 =	sadd.s32 s6, s8  }
0xc: {  	s8 =	simm.s32 $0x1;
	s12 =	sshrl.u32 s12, $0x3;
	s16 =	sadd.s32 $0x1EA00, s9  }
0xd: {  	s7 =	smax.u32 s11, $0x1;
	s9 =	simm.s32 $0x4E80;
	s10 =	sadd.s32 s15, s6  }
0xe: {  	s11 =	sor.u32 $0x1C01, s31;
	s15 =	sadd.s32 s15, s16;
	s16 =	simm.s32 $0x0  }
.LBB2_1:
0xf: {  	[tilespmem:s3], [sflag:$0x1] =	stream.linear.gather [hbm4b:s4+s3], $0x4E80, $0x38;
	[tilespmem:$0x15960] =	vst v63  }
0x10: {  	_ =	swait.ge [sflag:s8], $0x4E80  }
0x11: {  	[sflag:s8] =	ssyncset.done $0x0  }
0x12: {  	[sflag:s8] =	ssyncadd.s32 $0xFFFFB180  }
0x13: {  	[tilespmem:s9], [sflag:$0x1] =	stream.linear.gather [hbm4b:s5+s3], $0x4E80, $0x38;
	[tilespmem:$0x15960] =	vst v63  }
0x14: {  	_ =	swait.ge [sflag:s8], $0x4E80  }
0x15: {  	[sflag:s8] =	ssyncset.done $0x0  }
0x16: {  	[sflag:s8] =	ssyncadd.s32 $0xFFFFB180  }
0x17: {  	[spmem:s12], [sflag:s11] =	dma.local [hbm:s10], $0x1388  }
0x18: {  	_ =	swait.ge [sflag:s8], $0x1388  }
0x19: {  	[sflag:s8] =	ssyncset.done $0x0  }
0x1a: {  	[sflag:s8] =	ssyncadd.s32 $0xFFFFEC78  }
0x1b: {  	s17 =	simm.s32 $0x0;
	[bflag:$0x0] =	sbarrier.arrive $0xFFFF  }
0x1c: {  	[tilespmem:s14], [sflag:$0x1] =	stream.indirect.gather [hbm4b:s6+s13], $0x40, s17, s13, $0xb8;
	[tilespmem:$0x15960] =	vst v63  }
0x1d: {  	_ =	swait.ge [sflag:s8], $0x2000  }
0x1e: {  	[sflag:s8] =	ssyncset.done $0x0  }
0x1f: {  	s31 =	simm.s32 $0x4E80;
	[sflag:s8] =	ssyncadd.s32 $0xFFFFE000  }
0x20: {  	[spmem:s2] =	stream.indirect.scatter.add.f32 [tilespmem:s14], [sflag:$0x1], $0x40, s31, s13, $0xb8;
	[tilespmem:$0x15960] =	vst v63  }
0x21: {  	_ =	swait.ge [sflag:s8], $0x2000  }
0x22: {  	s18 =	simm.s32 $0x400;
	s17 =	simm.s32 $0x200;
	[sflag:s8] =	ssyncset.done $0x0  }
.LBB2_2:
0x23: {  	s19 =	sshra.s32 s17, $0x2  }
0x24: {  	[sflag:s8] =	ssyncadd.s32 $0xFFFFE000;
	s17 =	smov.u32 s18;
	s20 =	sadd.s32 $0x200, s18  }
0x25: {  	[tilespmem:s14], [sflag:$0x1] =	stream.indirect.gather [hbm4b:s6+s13], $0x40, s19, s13, $0xb8;
	[tilespmem:$0x15960] =	vst v63  }
0x26: {  	p0 =	sne.s32 s18, $0x13800;
	_ =	swait.ge [sflag:s8], $0x2000  }
.Ltmp0:
0x27: {  	[sflag:s8] =	ssyncset.done $0x0;
	(pc) =	sbr.rel @p0 .LBB2_2-.Ltmp0, $4  }
0x28: {  	s18 =	sadd.s32 $0x4E80, s19;
	[sflag:s8] =	ssyncadd.s32 $0xFFFFE000  }
0x29: {  	[spmem:s2] =	stream.indirect.scatter.add.f32 [tilespmem:s14], [sflag:$0x1], $0x40, s18, s13, $0xb8;
	[tilespmem:$0x15960] =	vst v63  }
0x2a: {  	_ =	swait.ge [sflag:s8], $0x2000  }
0x2b: {  	s18 =	smov.u32 s20;
	[sflag:s8] =	ssyncset.done $0x0  }
0x2c: {  	s17 =	sshra.s32 s17, $0x2;
	[sflag:s8] =	ssyncadd.s32 $0xFFFFE000  }
0x2d: {  	[tilespmem:s14], [sflag:$0x1] =	stream.indirect.gather [hbm4b:s6+s13], $0x40, s17, s13, $0xb8;
	[tilespmem:$0x15960] =	vst v63  }
0x2e: {  	_ =	swait.ge [sflag:s8], $0x2000  }
0x2f: {  	[sflag:s8] =	ssyncset.done $0x0  }
0x30: {  	s17 =	sadd.s32 $0x4E80, s17;
	[sflag:s8] =	ssyncadd.s32 $0xFFFFE000  }
0x31: {  	[spmem:s2] =	stream.indirect.scatter.add.f32 [tilespmem:s14], [sflag:$0x1], $0x40, s17, s13, $0xb8;
	[tilespmem:$0x15960] =	vst v63  }
0x32: {  	_ =	swait.ge [sflag:s8], $0x2000  }
0x33: {  	s16 =	sadd.s32 $0x1, s16;
	[sflag:s8] =	ssyncset.done $0x0  }
0x34: {  	p0 =	sne.s32 s16, s7;
	[sflag:s8] =	ssyncadd.s32 $0xFFFFE000  }
.Ltmp1:
0x35: {  	[bflag:$0x0] =	sbarrier.arrive $0xFFFF;
	(pc) =	sbr.rel @p0 .LBB2_1-.Ltmp1, $4  }
0x36: {  	[hbm:s15], [sflag:s11] =	dma.local [spmem:s12], $0x1388  }
0x37: {  	_ =	swait.ge [sflag:s8], $0x1388  }
0x38: {  	[sflag:s8] =	ssyncset.done $0x0  }
0x39: {  	[sflag:s8] =	ssyncadd.s32 $0xFFFFEC78  }
0x3a: {  	_ =	sfence.sel $0x180000  }
0x3b: {  	[bflag:$0x0] =	sbarrier.arrive $0xFFFF  }
0x3c: {  	p0 =	sne.s32 s1, $0x0;
	_ =	strace $0x9000004A  }
0x3d: {  	s0 =	sadd.s32 @!p0 $0x100000, s0;
	[bflag:$0x2] =	sbarrier.arrive $0xFFFF  }
0x3e: {  	[sflag:s0] =	ssyncadd.tile.s32 @!p0 $0x1;
	_ =	shalt  }
.Lfunc_end2:
_tile_overlayer_lowered:
.L_overlay_start_2:
0x3f: {  	(tag) =	ssettag $0x2  }
0x40: {  	s0 =	rddreg [dreg:$0x0];
	s2 =	stileid.u32  }
0x41: {  	s1 =	rddreg [dreg:$0x1];
	p0 =	sne.s32 s2, $0x0  }
0x42: {  	s3 =	rddreg [dreg:$0x2];
	[bflag:$0x3] =	sbarrier.arrive $0xFFFF;
	s2 =	simm.s32 @!p0 $0x1C01  }
0x43: {  	[timem:s3], [sflag:s2] =	dma.local @!p0 [hbm:s0], s1  }
0x44: {  	s0 =	simm.s32 @!p0 $0x1  }
0x45: {  	_ =	swait.ge @!p0 [sflag:s0], s1  }
0x46: {  	s1 =	ssub.s32 @!p0 $0x0, s1;
	[sflag:s0] =	ssyncset.done @!p0 $0x0  }
0x47: {  	[sflag:s0] =	ssyncadd.s32 @!p0 s1  }
0x48: {  	[bflag:$0x3] =	sbarrier.arrive $0xFFFF  }
0x49: {  	_ =	shalt  }

</sc_bundles>
